<compile_context>
chip_gen: v7x
topology: tpu7x:2x2x1
jax: 0.10.2.dev20260603
libtpu: 0.0.44.dev20260713+nightly
codegen_flags: <defaults>
</compile_context>

<pallas_src>
import jax
import jax.numpy as jnp
from jax import lax
from jax.experimental import pallas as pl
from jax.experimental.pallas import tpu as pltpu
from jax.experimental.pallas import tpu_sc as plsc

_SCORE_THRESH = 0.25
_NMS_THRESH = 0.5
_MAX_DET = 300
_NEG = -1e9
_BIG = 1e9
_N = 5000
_SPAD = 5008
_NCHUNK = _SPAD // 16


def _sc_nms(x1_hbm, y1_hbm, x2_hbm, y2_hbm, sc_hbm, out_hbm,
            x1_v, y1_v, x2_v, y2_v, wk_v, ar_v, rows_v):
    c = lax.axis_index("c")
    s = lax.axis_index("s")
    b = 2 * c + s // 8
    active = lax.rem(s, 8) == 0

    pltpu.sync_copy(x1_hbm.at[b], x1_v)
    pltpu.sync_copy(y1_hbm.at[b], y1_v)
    pltpu.sync_copy(x2_hbm.at[b], x2_v)
    pltpu.sync_copy(y2_hbm.at[b], y2_v)
    pltpu.sync_copy(sc_hbm.at[b], wk_v)

    lanes = lax.iota(jnp.int32, 16)
    lanef = lanes.astype(jnp.float32)

    def init_chunk(j, carry):
        dsl = pl.ds(j * 16, 16)
        scv = wk_v[dsl]
        wk_v[dsl] = jnp.where(scv > _SCORE_THRESH, scv, _NEG)
        ar_v[dsl] = (x2_v[dsl] - x1_v[dsl]) * (y2_v[dsl] - y1_v[dsl])
        return carry

    lax.fori_loop(0, _NCHUNK, init_chunk, 0)

    def step(t, carry):
        def amax_chunk(j, mc):
            m, mi = mc
            dsl = pl.ds(j * 16, 16)
            w = wk_v[dsl]
            gi = lax.convert_element_type(j * 16, jnp.float32) + lanef
            bm = w > m
            return jnp.where(bm, w, m), jnp.where(bm, gi, mi)

        m0 = jnp.full((16,), _NEG, jnp.float32)
        i0 = jnp.full((16,), _BIG, jnp.float32)
        m, mi = lax.fori_loop(0, _NCHUNK, amax_chunk, (m0, i0))
        lm = jnp.max(m)
        li = jnp.min(jnp.where(m == lm, mi, _BIG))
        valid = lm > _NEG * 0.5
        kloc = jnp.clip(li, 0.0, float(_N - 1)).astype(jnp.int32)
        kvec = jnp.full((16,), 0, jnp.int32) + kloc

        bx1 = plsc.load_gather(x1_v, [kvec])
        by1 = plsc.load_gather(y1_v, [kvec])
        bx2 = plsc.load_gather(x2_v, [kvec])
        by2 = plsc.load_gather(y2_v, [kvec])
        barea = (bx2 - bx1) * (by2 - by1)

        def iou_chunk(j, carry2):
            dsl = pl.ds(j * 16, 16)
            w = wk_v[dsl]
            xx1 = jnp.maximum(x1_v[dsl], bx1)
            yy1 = jnp.maximum(y1_v[dsl], by1)
            xx2 = jnp.minimum(x2_v[dsl], bx2)
            yy2 = jnp.minimum(y2_v[dsl], by2)
            inter = (jnp.maximum(xx2 - xx1, 0.0)
                     * jnp.maximum(yy2 - yy1, 0.0))
            iou = inter / (barea + ar_v[dsl] - inter + 1e-9)
            gi = lax.convert_element_type(j * 16, jnp.float32) + lanef
            kill = ((iou > _NMS_THRESH) & valid) | (gi == li)
            wk_v[dsl] = jnp.where(kill, _NEG, w)
            return carry2

        lax.fori_loop(0, _NCHUNK, iou_chunk, 0)

        vf = jnp.where(valid, 1.0, 0.0)
        row = vf * (jnp.where(lanes == 0, bx1, 0.0)
                    + jnp.where(lanes == 1, by1, 0.0)
                    + jnp.where(lanes == 2, bx2, 0.0)
                    + jnp.where(lanes == 3, by2, 0.0)
                    + jnp.where(lanes == 4, lm, 0.0))
        plsc.store_scatter(
            rows_v, [jnp.full((16,), 0, jnp.int32) + t, lanes], row)
        return carry

    lax.fori_loop(0, _MAX_DET, step, 0)

    @pl.when(active)
    def _():
        pltpu.sync_copy(rows_v, out_hbm.at[b])


def kernel(boxes, scores):
    bsz, n, _ = boxes.shape
    padw = ((0, 0), (0, _SPAD - n))
    x1 = jnp.pad(boxes[:, :, 0], padw)
    y1 = jnp.pad(boxes[:, :, 1], padw)
    x2 = jnp.pad(boxes[:, :, 2], padw)
    y2 = jnp.pad(boxes[:, :, 3], padw)
    sc = jnp.pad(scores, padw, constant_values=-1.0)

    mesh = plsc.VectorSubcoreMesh(core_axis_name="c", subcore_axis_name="s",
                                  num_cores=2, num_subcores=16)
    f = pl.kernel(
        _sc_nms,
        out_type=jax.ShapeDtypeStruct((bsz, _MAX_DET, 16), jnp.float32),
        mesh=mesh,
        compiler_params=pltpu.CompilerParams(needs_layout_passes=False),
        scratch_types=[
            pltpu.VMEM((_SPAD,), jnp.float32),
            pltpu.VMEM((_SPAD,), jnp.float32),
            pltpu.VMEM((_SPAD,), jnp.float32),
            pltpu.VMEM((_SPAD,), jnp.float32),
            pltpu.VMEM((_SPAD,), jnp.float32),
            pltpu.VMEM((_SPAD,), jnp.float32),
            pltpu.VMEM((_MAX_DET, 16), jnp.float32),
        ],
    )
    out = f(x1, y1, x2, y2, sc)
    return out[:, :, :5]

# --- scband reference (transcript-rebuilt; emitter-appended) ---
"""Pipeline reference for scband-ssddetector-39152921870474 (READ-ONLY COPY).

The authoritative reference and input builder live on the scoring server;
editing this copy changes nothing except your own understanding.
"""

import jax, jax.numpy as jnp
import numpy as np

SCORE_THRESH = 0.25
NMS_THRESH = 0.5
MAX_DET = 300
NEG = -1e9


def setup_inputs(seed: int = 0) -> dict:
    key = jax.random.key(seed)
    kxy, kwh, ks = jax.random.split(key, 3)
    B, N = 4, 5000
    xy = jax.random.uniform(kxy, (B, N, 2), dtype=jnp.float32) * 300.0
    wh = jax.random.uniform(kwh, (B, N, 2), dtype=jnp.float32) * 60.0 + 1.0
    boxes = jnp.concatenate([xy, xy + wh], axis=-1)  # [B, N, 4] xyxy in 320x320 frame
    scores = jax.random.uniform(ks, (B, N), dtype=jnp.float32)
    return {"boxes": boxes, "scores": scores}


def _iou_one_vs_all(box, boxes):
    x1 = jnp.maximum(box[0], boxes[:, 0])
    y1 = jnp.maximum(box[1], boxes[:, 1])
    x2 = jnp.minimum(box[2], boxes[:, 2])
    y2 = jnp.minimum(box[3], boxes[:, 3])
    inter = jnp.clip(x2 - x1, 0.0) * jnp.clip(y2 - y1, 0.0)
    area1 = (box[2] - box[0]) * (box[3] - box[1])
    area2 = (boxes[:, 2] - boxes[:, 0]) * (boxes[:, 3] - boxes[:, 1])
    return inter / (area1 + area2 - inter + 1e-9)


def _nms_single(boxes, scores):
    # score threshold (detector.score_thresh) then greedy NMS (detector.nms_thresh)
    work = jnp.where(scores > SCORE_THRESH, scores, NEG)

    def step(work, _):
        best = jnp.argmax(work)
        valid = work[best] > NEG * 0.5
        kidx = jnp.where(valid, best.astype(jnp.int32), jnp.int32(-1))
        ious = _iou_one_vs_all(boxes[best], boxes)
        suppress = (ious > NMS_THRESH) & valid
        work = jnp.where(suppress, NEG, work)
        work = work.at[best].set(NEG)
        return work, kidx

    _, keep = jax.lax.scan(step, work, None, length=MAX_DET)  # [MAX_DET] int32
    maskf = (keep >= 0).astype(boxes.dtype)
    idx = jnp.maximum(keep, 0)
    kept_boxes = boxes[idx] * maskf[:, None]   # gather -> SparseCore friendly
    kept_scores = scores[idx] * maskf
    return jnp.concatenate([kept_boxes, kept_scores[:, None]], axis=-1)  # [MAX_DET, 5]


def reference(boxes, scores):
    # per-image postprocess, as torchvision SSD postprocess_detections + batched_nms
    return jax.vmap(_nms_single)(boxes, scores)  # [B, MAX_DET, 5]

if __name__ == "__main__":
    import jax
    _d = setup_inputs()
    print(jax.jit(kernel)(*tuple(_d.values())))

</pallas_src>

<mosaic_0001>
#map = affine_map<(d0, d1) -> (0, 0)>
#map1 = affine_map<(d0, d1) -> (0, 0, 0)>
module attributes {stable_mosaic.version = 14 : i64} {
  func.func @_sc_nms(%arg0: i32, %arg1: i32, %arg2: memref<4x5008xf32, #tpu.memory_space<hbm>>, %arg3: memref<4x5008xf32, #tpu.memory_space<hbm>>, %arg4: memref<4x5008xf32, #tpu.memory_space<hbm>>, %arg5: memref<4x5008xf32, #tpu.memory_space<hbm>>, %arg6: memref<4x5008xf32, #tpu.memory_space<hbm>>, %arg7: memref<4x300x16xf32, #tpu.memory_space<hbm>>, %arg8: memref<5008xf32, #tpu.memory_space<vmem>>, %arg9: memref<5008xf32, #tpu.memory_space<vmem>>, %arg10: memref<5008xf32, #tpu.memory_space<vmem>>, %arg11: memref<5008xf32, #tpu.memory_space<vmem>>, %arg12: memref<5008xf32, #tpu.memory_space<vmem>>, %arg13: memref<5008xf32, #tpu.memory_space<vmem>>, %arg14: memref<300x16xf32, #tpu.memory_space<vmem>>) attributes {dimension_semantics = [#tpu.dimension_semantics<core_parallel>, #tpu.dimension_semantics<subcore_parallel>], iteration_bounds = array<i64: 2, 16>, scalar_prefetch = 0 : i64, scratch_operands = 7 : i64, tpu.core_type = #tpu.core_type<sc_vector_subcore>, window_params = [{transform_indices = #map}, {transform_indices = #map}, {transform_indices = #map}, {transform_indices = #map}, {transform_indices = #map}, {transform_indices = #map1}]} {
    %mul3A = arith.constant 2 : i32
    %mul3A_0 = arith.muli %mul3A, %arg0 : i32
    %jit3A = arith.constant 8 : i32
    %div3A = arith.divsi %arg1, %jit3A : i32
    %sign3A = arith.constant 0 : i32
    %sign3A_1 = arith.cmpi sgt, %arg1, %sign3A : i32
    %sign3A_2 = arith.extui %sign3A_1 : i1 to i32
    %sign3A_3 = arith.constant 0 : i32
    %sign3A_4 = arith.cmpi slt, %arg1, %sign3A_3 : i32
    %sign3A_5 = arith.extui %sign3A_4 : i1 to i32
    %sign3A_6 = arith.subi %sign3A_2, %sign3A_5 : i32
    %sign3A_7 = arith.constant 0 : i32
    %sign3A_8 = arith.cmpi sgt, %jit3A, %sign3A_7 : i32
    %sign3A_9 = arith.extui %sign3A_8 : i1 to i32
    %sign3A_10 = arith.constant 0 : i32
    %sign3A_11 = arith.cmpi slt, %jit3A, %sign3A_10 : i32
    %sign3A_12 = arith.extui %sign3A_11 : i1 to i32
    %sign3A_13 = arith.subi %sign3A_9, %sign3A_12 : i32
    %ne3A = arith.cmpi ne, %sign3A_6, %sign3A_13 : i32
    %rem3A = arith.remsi %arg1, %jit3A : i32
    %ne3A_14 = arith.constant 0 : i32
    %ne3A_15 = arith.cmpi ne, %rem3A, %ne3A_14 : i32
    %and3A = arith.andi %ne3A, %ne3A_15 : i1
    %sub3A = arith.constant 1 : i32
    %sub3A_16 = arith.subi %div3A, %sub3A : i32
    %select_n3A = arith.select %and3A, %sub3A_16, %div3A : i32
    %add3A = arith.addi %mul3A_0, %select_n3A : i32
    %rem3A_17 = arith.constant 8 : i32
    %rem3A_18 = arith.remsi %arg1, %rem3A_17 : i32
    %eq3A = arith.constant 0 : i32
    %eq3A_19 = arith.cmpi eq, %rem3A_18, %eq3A : i32
    "tpu.region"() ({
      %run_scoped3A = tpu.sem_alloc : memref<!tpu.dma_semaphore, #tpu.memory_space<semaphore_mem>>
      %dma_start3A = arith.constant 0 : i32
      %dma_start3A_33 = tpu.memref_slice %arg2[%add3A, %dma_start3A] : memref<4x5008xf32, #tpu.memory_space<hbm>> -> memref<1x5008xf32, #tpu.memory_space<hbm>>
      %dma_start3A_34 = tpu.memref_squeeze %dma_start3A_33 : memref<1x5008xf32, #tpu.memory_space<hbm>> -> memref<5008xf32, #tpu.memory_space<hbm>>
      %dma_start3A_35 = arith.constant 0 : i32
      %dma_start3A_36 = tpu.memref_slice %arg2[%add3A, %dma_start3A_35] : memref<4x5008xf32, #tpu.memory_space<hbm>> -> memref<1x5008xf32, #tpu.memory_space<hbm>>
      %dma_start3A_37 = tpu.memref_squeeze %dma_start3A_36 : memref<1x5008xf32, #tpu.memory_space<hbm>> -> memref<5008xf32, #tpu.memory_space<hbm>>
      tpu.enqueue_dma source(%dma_start3A_37 : memref<5008xf32, #tpu.memory_space<hbm>>) target(%arg8 : memref<5008xf32, #tpu.memory_space<vmem>>) target_semaphore(%run_scoped3A : memref<!tpu.dma_semaphore, #tpu.memory_space<semaphore_mem>>)
      %dma_wait3A = arith.constant 0 : i32
      %dma_wait3A_38 = tpu.memref_slice %arg2[%add3A, %dma_wait3A] : memref<4x5008xf32, #tpu.memory_space<hbm>> -> memref<1x5008xf32, #tpu.memory_space<hbm>>
      %dma_wait3A_39 = tpu.memref_squeeze %dma_wait3A_38 : memref<1x5008xf32, #tpu.memory_space<hbm>> -> memref<5008xf32, #tpu.memory_space<hbm>>
      %dma_wait3A_40 = arith.constant 0 : i32
      %dma_wait3A_41 = tpu.memref_slice %arg2[%add3A, %dma_wait3A_40] : memref<4x5008xf32, #tpu.memory_space<hbm>> -> memref<1x5008xf32, #tpu.memory_space<hbm>>
      %dma_wait3A_42 = tpu.memref_squeeze %dma_wait3A_41 : memref<1x5008xf32, #tpu.memory_space<hbm>> -> memref<5008xf32, #tpu.memory_space<hbm>>
      tpu.wait_dma2 semaphore(%run_scoped3A : memref<!tpu.dma_semaphore, #tpu.memory_space<semaphore_mem>>) src(%dma_wait3A_42 : memref<5008xf32, #tpu.memory_space<hbm>>) dst(%arg8 : memref<5008xf32, #tpu.memory_space<vmem>>)
      tpu.yield
    }) : () -> ()
    "tpu.region"() ({
      %run_scoped3A = tpu.sem_alloc : memref<!tpu.dma_semaphore, #tpu.memory_space<semaphore_mem>>
      %dma_start3A = arith.constant 0 : i32
      %dma_start3A_33 = tpu.memref_slice %arg3[%add3A, %dma_start3A] : memref<4x5008xf32, #tpu.memory_space<hbm>> -> memref<1x5008xf32, #tpu.memory_space<hbm>>
      %dma_start3A_34 = tpu.memref_squeeze %dma_start3A_33 : memref<1x5008xf32, #tpu.memory_space<hbm>> -> memref<5008xf32, #tpu.memory_space<hbm>>
      %dma_start3A_35 = arith.constant 0 : i32
      %dma_start3A_36 = tpu.memref_slice %arg3[%add3A, %dma_start3A_35] : memref<4x5008xf32, #tpu.memory_space<hbm>> -> memref<1x5008xf32, #tpu.memory_space<hbm>>
      %dma_start3A_37 = tpu.memref_squeeze %dma_start3A_36 : memref<1x5008xf32, #tpu.memory_space<hbm>> -> memref<5008xf32, #tpu.memory_space<hbm>>
      tpu.enqueue_dma source(%dma_start3A_37 : memref<5008xf32, #tpu.memory_space<hbm>>) target(%arg9 : memref<5008xf32, #tpu.memory_space<vmem>>) target_semaphore(%run_scoped3A : memref<!tpu.dma_semaphore, #tpu.memory_space<semaphore_mem>>)
      %dma_wait3A = arith.constant 0 : i32
      %dma_wait3A_38 = tpu.memref_slice %arg3[%add3A, %dma_wait3A] : memref<4x5008xf32, #tpu.memory_space<hbm>> -> memref<1x5008xf32, #tpu.memory_space<hbm>>
      %dma_wait3A_39 = tpu.memref_squeeze %dma_wait3A_38 : memref<1x5008xf32, #tpu.memory_space<hbm>> -> memref<5008xf32, #tpu.memory_space<hbm>>
      %dma_wait3A_40 = arith.constant 0 : i32
      %dma_wait3A_41 = tpu.memref_slice %arg3[%add3A, %dma_wait3A_40] : memref<4x5008xf32, #tpu.memory_space<hbm>> -> memref<1x5008xf32, #tpu.memory_space<hbm>>
      %dma_wait3A_42 = tpu.memref_squeeze %dma_wait3A_41 : memref<1x5008xf32, #tpu.memory_space<hbm>> -> memref<5008xf32, #tpu.memory_space<hbm>>
      tpu.wait_dma2 semaphore(%run_scoped3A : memref<!tpu.dma_semaphore, #tpu.memory_space<semaphore_mem>>) src(%dma_wait3A_42 : memref<5008xf32, #tpu.memory_space<hbm>>) dst(%arg9 : memref<5008xf32, #tpu.memory_space<vmem>>)
      tpu.yield
    }) : () -> ()
    "tpu.region"() ({
      %run_scoped3A = tpu.sem_alloc : memref<!tpu.dma_semaphore, #tpu.memory_space<semaphore_mem>>
      %dma_start3A = arith.constant 0 : i32
      %dma_start3A_33 = tpu.memref_slice %arg4[%add3A, %dma_start3A] : memref<4x5008xf32, #tpu.memory_space<hbm>> -> memref<1x5008xf32, #tpu.memory_space<hbm>>
      %dma_start3A_34 = tpu.memref_squeeze %dma_start3A_33 : memref<1x5008xf32, #tpu.memory_space<hbm>> -> memref<5008xf32, #tpu.memory_space<hbm>>
      %dma_start3A_35 = arith.constant 0 : i32
      %dma_start3A_36 = tpu.memref_slice %arg4[%add3A, %dma_start3A_35] : memref<4x5008xf32, #tpu.memory_space<hbm>> -> memref<1x5008xf32, #tpu.memory_space<hbm>>
      %dma_start3A_37 = tpu.memref_squeeze %dma_start3A_36 : memref<1x5008xf32, #tpu.memory_space<hbm>> -> memref<5008xf32, #tpu.memory_space<hbm>>
      tpu.enqueue_dma source(%dma_start3A_37 : memref<5008xf32, #tpu.memory_space<hbm>>) target(%arg10 : memref<5008xf32, #tpu.memory_space<vmem>>) target_semaphore(%run_scoped3A : memref<!tpu.dma_semaphore, #tpu.memory_space<semaphore_mem>>)
      %dma_wait3A = arith.constant 0 : i32
      %dma_wait3A_38 = tpu.memref_slice %arg4[%add3A, %dma_wait3A] : memref<4x5008xf32, #tpu.memory_space<hbm>> -> memref<1x5008xf32, #tpu.memory_space<hbm>>
      %dma_wait3A_39 = tpu.memref_squeeze %dma_wait3A_38 : memref<1x5008xf32, #tpu.memory_space<hbm>> -> memref<5008xf32, #tpu.memory_space<hbm>>
      %dma_wait3A_40 = arith.constant 0 : i32
      %dma_wait3A_41 = tpu.memref_slice %arg4[%add3A, %dma_wait3A_40] : memref<4x5008xf32, #tpu.memory_space<hbm>> -> memref<1x5008xf32, #tpu.memory_space<hbm>>
      %dma_wait3A_42 = tpu.memref_squeeze %dma_wait3A_41 : memref<1x5008xf32, #tpu.memory_space<hbm>> -> memref<5008xf32, #tpu.memory_space<hbm>>
      tpu.wait_dma2 semaphore(%run_scoped3A : memref<!tpu.dma_semaphore, #tpu.memory_space<semaphore_mem>>) src(%dma_wait3A_42 : memref<5008xf32, #tpu.memory_space<hbm>>) dst(%arg10 : memref<5008xf32, #tpu.memory_space<vmem>>)
      tpu.yield
    }) : () -> ()
    "tpu.region"() ({
      %run_scoped3A = tpu.sem_alloc : memref<!tpu.dma_semaphore, #tpu.memory_space<semaphore_mem>>
      %dma_start3A = arith.constant 0 : i32
      %dma_start3A_33 = tpu.memref_slice %arg5[%add3A, %dma_start3A] : memref<4x5008xf32, #tpu.memory_space<hbm>> -> memref<1x5008xf32, #tpu.memory_space<hbm>>
      %dma_start3A_34 = tpu.memref_squeeze %dma_start3A_33 : memref<1x5008xf32, #tpu.memory_space<hbm>> -> memref<5008xf32, #tpu.memory_space<hbm>>
      %dma_start3A_35 = arith.constant 0 : i32
      %dma_start3A_36 = tpu.memref_slice %arg5[%add3A, %dma_start3A_35] : memref<4x5008xf32, #tpu.memory_space<hbm>> -> memref<1x5008xf32, #tpu.memory_space<hbm>>
      %dma_start3A_37 = tpu.memref_squeeze %dma_start3A_36 : memref<1x5008xf32, #tpu.memory_space<hbm>> -> memref<5008xf32, #tpu.memory_space<hbm>>
      tpu.enqueue_dma source(%dma_start3A_37 : memref<5008xf32, #tpu.memory_space<hbm>>) target(%arg11 : memref<5008xf32, #tpu.memory_space<vmem>>) target_semaphore(%run_scoped3A : memref<!tpu.dma_semaphore, #tpu.memory_space<semaphore_mem>>)
      %dma_wait3A = arith.constant 0 : i32
      %dma_wait3A_38 = tpu.memref_slice %arg5[%add3A, %dma_wait3A] : memref<4x5008xf32, #tpu.memory_space<hbm>> -> memref<1x5008xf32, #tpu.memory_space<hbm>>
      %dma_wait3A_39 = tpu.memref_squeeze %dma_wait3A_38 : memref<1x5008xf32, #tpu.memory_space<hbm>> -> memref<5008xf32, #tpu.memory_space<hbm>>
      %dma_wait3A_40 = arith.constant 0 : i32
      %dma_wait3A_41 = tpu.memref_slice %arg5[%add3A, %dma_wait3A_40] : memref<4x5008xf32, #tpu.memory_space<hbm>> -> memref<1x5008xf32, #tpu.memory_space<hbm>>
      %dma_wait3A_42 = tpu.memref_squeeze %dma_wait3A_41 : memref<1x5008xf32, #tpu.memory_space<hbm>> -> memref<5008xf32, #tpu.memory_space<hbm>>
      tpu.wait_dma2 semaphore(%run_scoped3A : memref<!tpu.dma_semaphore, #tpu.memory_space<semaphore_mem>>) src(%dma_wait3A_42 : memref<5008xf32, #tpu.memory_space<hbm>>) dst(%arg11 : memref<5008xf32, #tpu.memory_space<vmem>>)
      tpu.yield
    }) : () -> ()
    "tpu.region"() ({
      %run_scoped3A = tpu.sem_alloc : memref<!tpu.dma_semaphore, #tpu.memory_space<semaphore_mem>>
      %dma_start3A = arith.constant 0 : i32
      %dma_start3A_33 = tpu.memref_slice %arg6[%add3A, %dma_start3A] : memref<4x5008xf32, #tpu.memory_space<hbm>> -> memref<1x5008xf32, #tpu.memory_space<hbm>>
      %dma_start3A_34 = tpu.memref_squeeze %dma_start3A_33 : memref<1x5008xf32, #tpu.memory_space<hbm>> -> memref<5008xf32, #tpu.memory_space<hbm>>
      %dma_start3A_35 = arith.constant 0 : i32
      %dma_start3A_36 = tpu.memref_slice %arg6[%add3A, %dma_start3A_35] : memref<4x5008xf32, #tpu.memory_space<hbm>> -> memref<1x5008xf32, #tpu.memory_space<hbm>>
      %dma_start3A_37 = tpu.memref_squeeze %dma_start3A_36 : memref<1x5008xf32, #tpu.memory_space<hbm>> -> memref<5008xf32, #tpu.memory_space<hbm>>
      tpu.enqueue_dma source(%dma_start3A_37 : memref<5008xf32, #tpu.memory_space<hbm>>) target(%arg12 : memref<5008xf32, #tpu.memory_space<vmem>>) target_semaphore(%run_scoped3A : memref<!tpu.dma_semaphore, #tpu.memory_space<semaphore_mem>>)
      %dma_wait3A = arith.constant 0 : i32
      %dma_wait3A_38 = tpu.memref_slice %arg6[%add3A, %dma_wait3A] : memref<4x5008xf32, #tpu.memory_space<hbm>> -> memref<1x5008xf32, #tpu.memory_space<hbm>>
      %dma_wait3A_39 = tpu.memref_squeeze %dma_wait3A_38 : memref<1x5008xf32, #tpu.memory_space<hbm>> -> memref<5008xf32, #tpu.memory_space<hbm>>
      %dma_wait3A_40 = arith.constant 0 : i32
      %dma_wait3A_41 = tpu.memref_slice %arg6[%add3A, %dma_wait3A_40] : memref<4x5008xf32, #tpu.memory_space<hbm>> -> memref<1x5008xf32, #tpu.memory_space<hbm>>
      %dma_wait3A_42 = tpu.memref_squeeze %dma_wait3A_41 : memref<1x5008xf32, #tpu.memory_space<hbm>> -> memref<5008xf32, #tpu.memory_space<hbm>>
      tpu.wait_dma2 semaphore(%run_scoped3A : memref<!tpu.dma_semaphore, #tpu.memory_space<semaphore_mem>>) src(%dma_wait3A_42 : memref<5008xf32, #tpu.memory_space<hbm>>) dst(%arg12 : memref<5008xf32, #tpu.memory_space<vmem>>)
      tpu.yield
    }) : () -> ()
    %iota3A = tpu.iota {dimensions = array<i32: 0>} : vector<16xi32>
    %convert_element_type3A = arith.sitofp %iota3A : vector<16xi32> to vector<16xf32>
    %scan3A = arith.constant 0 : i32
    %scan3A_20 = arith.constant 0 : i32
    %scan3A_21 = arith.constant 313 : i32
    %scan3A_22 = arith.addi %scan3A_20, %scan3A_21 : i32
    %scan3A_23 = arith.constant 1 : i32
    scf.for %scan3A_33 = %scan3A_20 to %scan3A_22 step %scan3A_23  : i32 {
      %mul3A_34 = arith.constant 16 : i32
      %mul3A_35 = arith.muli %scan3A_33, %mul3A_34 : i32
      %get3A = arith.index_cast %mul3A_35 : i32 to index
      %get3A_36 = tpu.vector_load %arg12[%get3A] {strides = array<i32>} : memref<5008xf32, #tpu.memory_space<vmem>>, vector<16xf32>,
      %gt3A = arith.constant 2.500000e-01 : f32
      %gt3A_37 = vector.broadcast %gt3A : f32 to vector<16xf32>
      %gt3A_38 = arith.cmpf ogt, %get3A_36, %gt3A_37 : vector<16xf32>
      %jit3A_39 = arith.constant -1.000000e+09 : f32
      %broadcast_in_dim3A = vector.broadcast %jit3A_39 : f32 to vector<16xf32>
      %select_n3A_40 = arith.select %gt3A_38, %get3A_36, %broadcast_in_dim3A : vector<16xi1>, vector<16xf32>
      %swap3A = arith.index_cast %mul3A_35 : i32 to index
      %swap3A_41 = tpu.vector_load %arg12[%swap3A] {strides = array<i32>} : memref<5008xf32, #tpu.memory_space<vmem>>, vector<16xf32>,
      tpu.vector_store %arg12[%swap3A], %select_n3A_40 {strides = array<i32>} : memref<5008xf32, #tpu.memory_space<vmem>>, vector<16xf32>,
      %get3A_42 = arith.index_cast %mul3A_35 : i32 to index
      %get3A_43 = tpu.vector_load %arg10[%get3A_42] {strides = array<i32>} : memref<5008xf32, #tpu.memory_space<vmem>>, vector<16xf32>,
      %get3A_44 = arith.index_cast %mul3A_35 : i32 to index
      %get3A_45 = tpu.vector_load %arg8[%get3A_44] {strides = array<i32>} : memref<5008xf32, #tpu.memory_space<vmem>>, vector<16xf32>,
      %sub3A_46 = arith.subf %get3A_43, %get3A_45 : vector<16xf32>
      %get3A_47 = arith.index_cast %mul3A_35 : i32 to index
      %get3A_48 = tpu.vector_load %arg11[%get3A_47] {strides = array<i32>} : memref<5008xf32, #tpu.memory_space<vmem>>, vector<16xf32>,
      %get3A_49 = arith.index_cast %mul3A_35 : i32 to index
      %get3A_50 = tpu.vector_load %arg9[%get3A_49] {strides = array<i32>} : memref<5008xf32, #tpu.memory_space<vmem>>, vector<16xf32>,
      %sub3A_51 = arith.subf %get3A_48, %get3A_50 : vector<16xf32>
      %mul3A_52 = arith.mulf %sub3A_46, %sub3A_51 : vector<16xf32>
      %swap3A_53 = arith.index_cast %mul3A_35 : i32 to index
      %swap3A_54 = tpu.vector_load %arg13[%swap3A_53] {strides = array<i32>} : memref<5008xf32, #tpu.memory_space<vmem>>, vector<16xf32>,
      tpu.vector_store %arg13[%swap3A_53], %mul3A_52 {strides = array<i32>} : memref<5008xf32, #tpu.memory_space<vmem>>, vector<16xf32>,
    }
    %scan3A_24 = arith.constant 313 : i32
    %scan3A_25 = arith.constant 0 : i32
    %scan3A_26 = arith.constant 0 : i32
    %scan3A_27 = arith.constant 300 : i32
    %scan3A_28 = arith.addi %scan3A_26, %scan3A_27 : i32
    %scan3A_29 = arith.constant 1 : i32
    scf.for %scan3A_33 = %scan3A_26 to %scan3A_28 step %scan3A_29  : i32 {
      %broadcast_in_dim3A = arith.constant -1.000000e+09 : f32
      %broadcast_in_dim3A_34 = vector.broadcast %broadcast_in_dim3A : f32 to vector<16xf32>
      %broadcast_in_dim3A_35 = arith.constant 1.000000e+09 : f32
      %broadcast_in_dim3A_36 = vector.broadcast %broadcast_in_dim3A_35 : f32 to vector<16xf32>
      %scan3A_37 = arith.constant 0 : i32
      %scan3A_38 = arith.constant 313 : i32
      %scan3A_39 = arith.addi %scan3A_37, %scan3A_38 : i32
      %scan3A_40 = arith.constant 1 : i32
      %scan3A_41:2 = scf.for %scan3A_118 = %scan3A_37 to %scan3A_39 step %scan3A_40 iter_args(%scan3A_119 = %broadcast_in_dim3A_34, %scan3A_120 = %broadcast_in_dim3A_36) -> (vector<16xf32>, vector<16xf32>)  : i32 {
        %mul3A_121 = arith.constant 16 : i32
        %mul3A_122 = arith.muli %scan3A_118, %mul3A_121 : i32
        %get3A = arith.index_cast %mul3A_122 : i32 to index
        %get3A_123 = tpu.vector_load %arg12[%get3A] {strides = array<i32>} : memref<5008xf32, #tpu.memory_space<vmem>>, vector<16xf32>,
        %mul3A_124 = arith.constant 16 : i32
        %mul3A_125 = arith.muli %scan3A_118, %mul3A_124 : i32
        %convert_element_type3A_126 = arith.sitofp %mul3A_125 : i32 to f32
        %add3A_127 = vector.broadcast %convert_element_type3A_126 : f32 to vector<16xf32>
        %add3A_128 = arith.addf %add3A_127, %convert_element_type3A : vector<16xf32>
        %gt3A_129 = arith.cmpf ogt, %get3A_123, %scan3A_119 : vector<16xf32>
        %select_n3A_130 = arith.select %gt3A_129, %get3A_123, %scan3A_119 : vector<16xi1>, vector<16xf32>
        %select_n3A_131 = arith.select %gt3A_129, %add3A_128, %scan3A_120 : vector<16xi1>, vector<16xf32>
        scf.yield %select_n3A_130, %select_n3A_131 : vector<16xf32>, vector<16xf32>
      }
      %scan3A_42 = arith.constant 313 : i32
      %reduce_max3A = arith.constant true
      %reduce_max3A_43 = vector.broadcast %reduce_max3A : i1 to vector<16xi1>
      %reduce_max3A_44 = tpu.scan <max>, %scan3A_41#0 masked %reduce_max3A_43 : vector<16xf32>, vector<16xi1> -> vector<16xf32>
      %reduce_max3A_45 = vector.extract %reduce_max3A_44[15] : f32 from vector<16xf32>
      %eq3A_46 = vector.broadcast %reduce_max3A_45 : f32 to vector<16xf32>
      %eq3A_47 = arith.cmpf oeq, %scan3A_41#0, %eq3A_46 : vector<16xf32>
      %jit3A_48 = arith.constant 1.000000e+09 : f32
      %broadcast_in_dim3A_49 = vector.broadcast %jit3A_48 : f32 to vector<16xf32>
      %select_n3A_50 = arith.select %eq3A_47, %scan3A_41#1, %broadcast_in_dim3A_49 : vector<16xi1>, vector<16xf32>
      %reduce_min3A = arith.constant true
      %reduce_min3A_51 = vector.broadcast %reduce_min3A : i1 to vector<16xi1>
      %reduce_min3A_52 = tpu.scan <min>, %select_n3A_50 masked %reduce_min3A_51 : vector<16xf32>, vector<16xi1> -> vector<16xf32>
      %reduce_min3A_53 = vector.extract %reduce_min3A_52[15] : f32 from vector<16xf32>
      %gt3A = arith.constant -5.000000e+08 : f32
      %gt3A_54 = arith.cmpf ogt, %reduce_max3A_45, %gt3A : f32
      %jit3A_55 = arith.constant 0.000000e+00 : f32
      %jit3A_56 = arith.constant 4.999000e+03 : f32
      %max3A = arith.maximumf %jit3A_55, %reduce_min3A_53 : f32
      %min3A = arith.minimumf %jit3A_56, %max3A : f32
      %convert_element_type3A_57 = arith.fptosi %min3A : f32 to i32
      %broadcast_in_dim3A_58 = arith.constant 0 : i32
      %broadcast_in_dim3A_59 = vector.broadcast %broadcast_in_dim3A_58 : i32 to vector<16xi32>
      %add3A_60 = vector.broadcast %convert_element_type3A_57 : i32 to vector<16xi32>
      %add3A_61 = arith.addi %broadcast_in_dim3A_59, %add3A_60 : vector<16xi32>
      %gather3A = tpu.vector_load_idx %arg8[%add3A_61] : memref<5008xf32, #tpu.memory_space<vmem>>[vector<16xi32>], vector<16xf32>,
      %gather3A_62 = tpu.vector_load_idx %arg9[%add3A_61] : memref<5008xf32, #tpu.memory_space<vmem>>[vector<16xi32>], vector<16xf32>,
      %gather3A_63 = tpu.vector_load_idx %arg10[%add3A_61] : memref<5008xf32, #tpu.memory_space<vmem>>[vector<16xi32>], vector<16xf32>,
      %gather3A_64 = tpu.vector_load_idx %arg11[%add3A_61] : memref<5008xf32, #tpu.memory_space<vmem>>[vector<16xi32>], vector<16xf32>,
      %sub3A_65 = arith.subf %gather3A_63, %gather3A : vector<16xf32>
      %sub3A_66 = arith.subf %gather3A_64, %gather3A_62 : vector<16xf32>
      %mul3A_67 = arith.mulf %sub3A_65, %sub3A_66 : vector<16xf32>
      %scan3A_68 = arith.constant 0 : i32
      %scan3A_69 = arith.constant 0 : i32
      %scan3A_70 = arith.constant 313 : i32
      %scan3A_71 = arith.addi %scan3A_69, %scan3A_70 : i32
      %scan3A_72 = arith.constant 1 : i32
      scf.for %scan3A_118 = %scan3A_69 to %scan3A_71 step %scan3A_72  : i32 {
        %mul3A_119 = arith.constant 16 : i32
        %mul3A_120 = arith.muli %scan3A_118, %mul3A_119 : i32
        %get3A = arith.index_cast %mul3A_120 : i32 to index
        %get3A_121 = tpu.vector_load %arg12[%get3A] {strides = array<i32>} : memref<5008xf32, #tpu.memory_space<vmem>>, vector<16xf32>,
        %get3A_122 = arith.index_cast %mul3A_120 : i32 to index
        %get3A_123 = tpu.vector_load %arg8[%get3A_122] {strides = array<i32>} : memref<5008xf32, #tpu.memory_space<vmem>>, vector<16xf32>,
        %max3A_124 = arith.maximumf %get3A_123, %gather3A : vector<16xf32>
        %get3A_125 = arith.index_cast %mul3A_120 : i32 to index
        %get3A_126 = tpu.vector_load %arg9[%get3A_125] {strides = array<i32>} : memref<5008xf32, #tpu.memory_space<vmem>>, vector<16xf32>,
        %max3A_127 = arith.maximumf %get3A_126, %gather3A_62 : vector<16xf32>
        %get3A_128 = arith.index_cast %mul3A_120 : i32 to index
        %get3A_129 = tpu.vector_load %arg10[%get3A_128] {strides = array<i32>} : memref<5008xf32, #tpu.memory_space<vmem>>, vector<16xf32>,
        %min3A_130 = arith.minimumf %get3A_129, %gather3A_63 : vector<16xf32>
        %get3A_131 = arith.index_cast %mul3A_120 : i32 to index
        %get3A_132 = tpu.vector_load %arg11[%get3A_131] {strides = array<i32>} : memref<5008xf32, #tpu.memory_space<vmem>>, vector<16xf32>,
        %min3A_133 = arith.minimumf %get3A_132, %gather3A_64 : vector<16xf32>
        %sub3A_134 = arith.subf %min3A_130, %max3A_124 : vector<16xf32>
        %max3A_135 = arith.constant 0.000000e+00 : f32
        %max3A_136 = vector.broadcast %max3A_135 : f32 to vector<16xf32>
        %max3A_137 = arith.maximumf %sub3A_134, %max3A_136 : vector<16xf32>
        %sub3A_138 = arith.subf %min3A_133, %max3A_127 : vector<16xf32>
        %max3A_139 = arith.constant 0.000000e+00 : f32
        %max3A_140 = vector.broadcast %max3A_139 : f32 to vector<16xf32>
        %max3A_141 = arith.maximumf %sub3A_138, %max3A_140 : vector<16xf32>
        %mul3A_142 = arith.mulf %max3A_137, %max3A_141 : vector<16xf32>
        %get3A_143 = arith.index_cast %mul3A_120 : i32 to index
        %get3A_144 = tpu.vector_load %arg13[%get3A_143] {strides = array<i32>} : memref<5008xf32, #tpu.memory_space<vmem>>, vector<16xf32>,
        %add3A_145 = arith.addf %mul3A_67, %get3A_144 : vector<16xf32>
        %sub3A_146 = arith.subf %add3A_145, %mul3A_142 : vector<16xf32>
        %add3A_147 = arith.constant 9.99999971E-10 : f32
        %add3A_148 = vector.broadcast %add3A_147 : f32 to vector<16xf32>
        %add3A_149 = arith.addf %sub3A_146, %add3A_148 : vector<16xf32>
        %div3A_150 = arith.divf %mul3A_142, %add3A_149 : vector<16xf32>
        %mul3A_151 = arith.constant 16 : i32
        %mul3A_152 = arith.muli %scan3A_118, %mul3A_151 : i32
        %convert_element_type3A_153 = arith.sitofp %mul3A_152 : i32 to f32
        %add3A_154 = vector.broadcast %convert_element_type3A_153 : f32 to vector<16xf32>
        %add3A_155 = arith.addf %add3A_154, %convert_element_type3A : vector<16xf32>
        %gt3A_156 = arith.constant 5.000000e-01 : f32
        %gt3A_157 = vector.broadcast %gt3A_156 : f32 to vector<16xf32>
        %gt3A_158 = arith.cmpf ogt, %div3A_150, %gt3A_157 : vector<16xf32>
        %and3A_159 = vector.broadcast %gt3A_54 : i1 to vector<16xi1>
        %and3A_160 = arith.andi %gt3A_158, %and3A_159 : vector<16xi1>
        %eq3A_161 = vector.broadcast %reduce_min3A_53 : f32 to vector<16xf32>
        %eq3A_162 = arith.cmpf oeq, %add3A_155, %eq3A_161 : vector<16xf32>
        %or3A = arith.ori %and3A_160, %eq3A_162 : vector<16xi1>
        %jit3A_163 = arith.constant -1.000000e+09 : f32
        %broadcast_in_dim3A_164 = vector.broadcast %jit3A_163 : f32 to vector<16xf32>
        %select_n3A_165 = arith.select %or3A, %broadcast_in_dim3A_164, %get3A_121 : vector<16xi1>, vector<16xf32>
        %swap3A = arith.index_cast %mul3A_120 : i32 to index
        %swap3A_166 = tpu.vector_load %arg12[%swap3A] {strides = array<i32>} : memref<5008xf32, #tpu.memory_space<vmem>>, vector<16xf32>,
        tpu.vector_store %arg12[%swap3A], %select_n3A_165 {strides = array<i32>} : memref<5008xf32, #tpu.memory_space<vmem>>, vector<16xf32>,
      }
      %scan3A_73 = arith.constant 313 : i32
      %jit3A_74 = arith.constant 1.000000e+00 : f32
      %jit3A_75 = arith.constant 0.000000e+00 : f32
      %select_n3A_76 = arith.select %gt3A_54, %jit3A_74, %jit3A_75 : f32
      %eq3A_77 = arith.constant 0 : i32
      %eq3A_78 = vector.broadcast %eq3A_77 : i32 to vector<16xi32>
      %eq3A_79 = arith.cmpi eq, %iota3A, %eq3A_78 : vector<16xi32>
      %jit3A_80 = arith.constant 0.000000e+00 : f32
      %broadcast_in_dim3A_81 = vector.broadcast %jit3A_80 : f32 to vector<16xf32>
      %select_n3A_82 = arith.select %eq3A_79, %gather3A, %broadcast_in_dim3A_81 : vector<16xi1>, vector<16xf32>
      %eq3A_83 = arith.constant 1 : i32
      %eq3A_84 = vector.broadcast %eq3A_83 : i32 to vector<16xi32>
      %eq3A_85 = arith.cmpi eq, %iota3A, %eq3A_84 : vector<16xi32>
      %jit3A_86 = arith.constant 0.000000e+00 : f32
      %broadcast_in_dim3A_87 = vector.broadcast %jit3A_86 : f32 to vector<16xf32>
      %select_n3A_88 = arith.select %eq3A_85, %gather3A_62, %broadcast_in_dim3A_87 : vector<16xi1>, vector<16xf32>
      %add3A_89 = arith.addf %select_n3A_82, %select_n3A_88 : vector<16xf32>
      %eq3A_90 = arith.constant 2 : i32
      %eq3A_91 = vector.broadcast %eq3A_90 : i32 to vector<16xi32>
      %eq3A_92 = arith.cmpi eq, %iota3A, %eq3A_91 : vector<16xi32>
      %jit3A_93 = arith.constant 0.000000e+00 : f32
      %broadcast_in_dim3A_94 = vector.broadcast %jit3A_93 : f32 to vector<16xf32>
      %select_n3A_95 = arith.select %eq3A_92, %gather3A_63, %broadcast_in_dim3A_94 : vector<16xi1>, vector<16xf32>
      %add3A_96 = arith.addf %add3A_89, %select_n3A_95 : vector<16xf32>
      %eq3A_97 = arith.constant 3 : i32
      %eq3A_98 = vector.broadcast %eq3A_97 : i32 to vector<16xi32>
      %eq3A_99 = arith.cmpi eq, %iota3A, %eq3A_98 : vector<16xi32>
      %jit3A_100 = arith.constant 0.000000e+00 : f32
      %broadcast_in_dim3A_101 = vector.broadcast %jit3A_100 : f32 to vector<16xf32>
      %select_n3A_102 = arith.select %eq3A_99, %gather3A_64, %broadcast_in_dim3A_101 : vector<16xi1>, vector<16xf32>
      %add3A_103 = arith.addf %add3A_96, %select_n3A_102 : vector<16xf32>
      %eq3A_104 = arith.constant 4 : i32
      %eq3A_105 = vector.broadcast %eq3A_104 : i32 to vector<16xi32>
      %eq3A_106 = arith.cmpi eq, %iota3A, %eq3A_105 : vector<16xi32>
      %jit3A_107 = arith.constant 0.000000e+00 : f32
      %broadcast_in_dim3A_108 = vector.broadcast %reduce_max3A_45 : f32 to vector<16xf32>
      %broadcast_in_dim3A_109 = vector.broadcast %jit3A_107 : f32 to vector<16xf32>
      %select_n3A_110 = arith.select %eq3A_106, %broadcast_in_dim3A_108, %broadcast_in_dim3A_109 : vector<16xi1>, vector<16xf32>
      %add3A_111 = arith.addf %add3A_103, %select_n3A_110 : vector<16xf32>
      %mul3A_112 = vector.broadcast %select_n3A_76 : f32 to vector<16xf32>
      %mul3A_113 = arith.mulf %mul3A_112, %add3A_111 : vector<16xf32>
      %broadcast_in_dim3A_114 = arith.constant 0 : i32
      %broadcast_in_dim3A_115 = vector.broadcast %broadcast_in_dim3A_114 : i32 to vector<16xi32>
      %add3A_116 = vector.broadcast %scan3A_33 : i32 to vector<16xi32>
      %add3A_117 = arith.addi %broadcast_in_dim3A_115, %add3A_116 : vector<16xi32>
      tpu.vector_store_idx %arg14[%add3A_117, %iota3A], %mul3A_113 : memref<300x16xf32, #tpu.memory_space<vmem>>[vector<16xi32>, vector<16xi32>], vector<16xf32>,
    }
    %scan3A_30 = arith.constant 300 : i32
    %convert_element_type3A_31 = arith.extui %eq3A_19 : i1 to i32
    %cond3A = arith.constant 0 : i32
    %cond3A_32 = arith.cmpi ne, %convert_element_type3A_31, %cond3A : i32
    scf.if %cond3A_32 {
      "tpu.region"() ({
        %run_scoped3A = tpu.sem_alloc : memref<!tpu.dma_semaphore, #tpu.memory_space<semaphore_mem>>
        %dma_start3A = arith.constant 0 : i32
        %dma_start3A_33 = arith.constant 0 : i32
        %dma_start3A_34 = tpu.memref_slice %arg7[%add3A, %dma_start3A, %dma_start3A_33] : memref<4x300x16xf32, #tpu.memory_space<hbm>> -> memref<1x300x16xf32, #tpu.memory_space<hbm>>
        %dma_start3A_35 = tpu.memref_squeeze %dma_start3A_34 : memref<1x300x16xf32, #tpu.memory_space<hbm>> -> memref<300x16xf32, #tpu.memory_space<hbm>>
        %dma_start3A_36 = arith.constant 0 : i32
        %dma_start3A_37 = arith.constant 0 : i32
        %dma_start3A_38 = tpu.memref_slice %arg7[%add3A, %dma_start3A_36, %dma_start3A_37] : memref<4x300x16xf32, #tpu.memory_space<hbm>> -> memref<1x300x16xf32, #tpu.memory_space<hbm>>
        %dma_start3A_39 = tpu.memref_squeeze %dma_start3A_38 : memref<1x300x16xf32, #tpu.memory_space<hbm>> -> memref<300x16xf32, #tpu.memory_space<hbm>>
        tpu.enqueue_dma source(%arg14 : memref<300x16xf32, #tpu.memory_space<vmem>>) target(%dma_start3A_39 : memref<300x16xf32, #tpu.memory_space<hbm>>) target_semaphore(%run_scoped3A : memref<!tpu.dma_semaphore, #tpu.memory_space<semaphore_mem>>)
        %dma_wait3A = arith.constant 0 : i32
        %dma_wait3A_40 = arith.constant 0 : i32
        %dma_wait3A_41 = tpu.memref_slice %arg7[%add3A, %dma_wait3A, %dma_wait3A_40] : memref<4x300x16xf32, #tpu.memory_space<hbm>> -> memref<1x300x16xf32, #tpu.memory_space<hbm>>
        %dma_wait3A_42 = tpu.memref_squeeze %dma_wait3A_41 : memref<1x300x16xf32, #tpu.memory_space<hbm>> -> memref<300x16xf32, #tpu.memory_space<hbm>>
        %dma_wait3A_43 = arith.constant 0 : i32
        %dma_wait3A_44 = arith.constant 0 : i32
        %dma_wait3A_45 = tpu.memref_slice %arg7[%add3A, %dma_wait3A_43, %dma_wait3A_44] : memref<4x300x16xf32, #tpu.memory_space<hbm>> -> memref<1x300x16xf32, #tpu.memory_space<hbm>>
        %dma_wait3A_46 = tpu.memref_squeeze %dma_wait3A_45 : memref<1x300x16xf32, #tpu.memory_space<hbm>> -> memref<300x16xf32, #tpu.memory_space<hbm>>
        tpu.wait_dma2 semaphore(%run_scoped3A : memref<!tpu.dma_semaphore, #tpu.memory_space<semaphore_mem>>) src(%arg14 : memref<300x16xf32, #tpu.memory_space<vmem>>) dst(%dma_wait3A_46 : memref<300x16xf32, #tpu.memory_space<hbm>>)
        tpu.yield
      }) : () -> ()
    } else {
    }
    return
  }
}

</mosaic_0001>

<sc_bundles>
// kernel: kernel.3.cloned.1.call-start
scs
__scs_entry_jumppad:
0x0: {  	(pc) =	sbr.rel $0x88, $3  }
0x1: {  	(tag) =	ssettag $0x0;
	lr =	simm.s32 $0x1  }
0x2: {  	[smem:$0x3F9F] =	sst lr;
	_ =	strace $0xD0000000  }
0x3: {  	_ = 	snop  }
0x4: {  	_ = 	snop  }
0x5: {  	_ = 	snop  }
0x6: {  	_ = 	snop  }
0x7: {  	_ = 	snop  }
__scs_overlays_trampoline_lowered:
0x8: {  	[smem:$0x3FAE] =	sst s0  }
0x9: {  	[smem:$0x3FAF] =	sst s1  }
0xa: {  	[smem:$0x3FB0] =	sst s2  }
0xb: {  	[smem:$0x3FB1] =	sst s3  }
0xc: {  	[smem:$0x3FB2] =	sst s4  }
0xd: {  	[smem:$0x3FB3] =	sst s5  }
0xe: {  	[smem:$0x3FB4] =	sst s6  }
0xf: {  	[smem:$0x3FB5] =	sst s7  }
0x10: {  	[smem:$0x3FB6] =	sst s8  }
0x11: {  	[smem:$0x3FB7] =	sst s9;
	s0 =	simm.s32 @!p0 $0x0  }
0x12: {  	s1 =	sld [smem:$0x3F9D];
	s0 =	simm.s32 @p0 $0x1  }
0x13: {  	[smem:$0x3FB8] =	sst s0;
	s0 =	simm.s32 @!p1 $0x0  }
0x14: {  	s2 =	sld [smem:$0x3F9C];
	s0 =	simm.s32 @p1 $0x1  }
0x15: {  	[smem:$0x3FB9] =	sst s0;
	s0 =	simm.s32 @!p2 $0x0  }
0x16: {  	s3 =	sld [smem:$0x3FDB];
	s0 =	simm.s32 @p2 $0x1  }
0x17: {  	s4 =	simm.s32 $0x1BF5;
	[smem:$0x3FBB] =	sst s0  }
0x18: {  	s0 =	sld [smem:$0x3F9E];
	_ =	swait.ge [sflag:s4], $0x0  }
0x19: {  	s7 =	sld [smem:$0x3F9F]  }
0x1a: {  	s8 =	sadd.s32 $0xFFFFE003, lr  }
0x1b: {  	s9 =	sadd.s32 $0xFFFFFEF7, lr;
	s5 =	simm.s32 $0xFFFFFFFF;
	p2 =	slt.u32 s8, $0xFFFFF086  }
0x1c: {  	p1 =	slt.u32 s9, $0xF7A;
	s5 =	simm.s32 @!p2 $0x0  }
0x1d: {  	s5 =	simm.s32 @p1 $0x1;
	p0 =	seq.s32 s7, s2  }
0x1e: {  	s7 =	smul.u32 @!p0 $0xF7A, s2;
	p2 =	seq.s32 @!p0 s5, $0x0  }
0x1f: {  	s9 =	smul.u32 $0xF7A, s1;
	s8 =	simm.s32 @!p0 $0x1BF5;
	p2 =	por !p2, p0  }
0x20: {  	[sflag:s8] =	ssyncset.s32 @!p0 $0xFFFFF086;
	s6 =	sadd.s32 @!p0 s3, s7;
	s7 =	simm.s32 @!p0 $0x108  }
0x21: {  	s3 =	sadd.s32 s3, s9;
	s6 =	sadd.s32 @!p0 $0x88, s6;
	s7 =	simm.s32 @p2 $0x1082  }
0x22: {  	[simem:s7], [sflag:s8] =	dma.local @!p0 [hbm:s6], $0xF7A  }
0x23: {  	s9 =	sor.u32 $0xD0000000, s2;
	s6 =	simm.s32 $0x108;
	_ =	swait.ge @!p0 [sflag:s8], $0x0  }
0x24: {  	s3 =	sadd.s32 $0x88, s3;
	s6 =	simm.s32 @!p1 $0x1082;
	[sflag:s4] =	ssyncset.s32 $0xFFFFF086  }
0x25: {  	[simem:s6], [sflag:s4] =	dma.local [hbm:s3], $0xF7A  }
0x26: {  	[smem:$0x3F9F] =	sst s1;
	(tag) =	ssettag s2;
	_ =	strace s9  }
0x27: {  	s1 =	sld [smem:$0x3FAF]  }
0x28: {  	s2 =	sld [smem:$0x3FB0]  }
0x29: {  	s4 =	sld [smem:$0x3FB2]  }
0x2a: {  	p0 =	seq.s32 s5, $0x0;
	s5 =	sld [smem:$0x3FB3]  }
0x2b: {  	s6 =	sld [smem:$0x3FB4]  }
0x2c: {  	s7 =	sld [smem:$0x3FB5]  }
0x2d: {  	s3 =	simm.s32 $0x108;
	s8 =	sld [smem:$0x3FB6]  }
0x2e: {  	s3 =	simm.s32 @!p0 $0x1082;
	s9 =	sld [smem:$0x3FB7]  }
0x2f: {  	lr =	sadd.s32 s0, s3;
	s0 =	sld [smem:$0x3FAE]  }
0x30: {  	s3 =	sld [smem:$0x3FB1]  }
0x31: {  	[smem:$0x3FBA] =	sst s10  }
0x32: {  	s10 =	sld [smem:$0x3FB8];
	_ =	sdelay $0x3  }
0x33: {  	p0 =	seq.s32 s10, $0x1;
	s10 =	sld [smem:$0x3FBA];
	_ =	sdelay $0x3  }
0x34: {  	[smem:$0x3FBA] =	sst s10  }
0x35: {  	s10 =	sld [smem:$0x3FB9];
	_ =	sdelay $0x3  }
0x36: {  	p1 =	seq.s32 s10, $0x1;
	s10 =	sld [smem:$0x3FBA];
	_ =	sdelay $0x3  }
0x37: {  	[smem:$0x3FBA] =	sst s10  }
0x38: {  	s10 =	sld [smem:$0x3FBB]  }
0x39: {  	_ = 	snop;
	(pc) =	sbr.ind lr, $3  }
0x3a: {  	_ = 	snop  }
0x3b: {  	_ = 	snop  }
0x3c: {  	p2 =	seq.s32 s10, $0x1;
	s10 =	sld [smem:$0x3FBA]  }
0x3d: {  	_ =	shalt  }
0x3e: {  	_ =	shalt  }
0x3f: {  	_ =	shalt  }
0x40: {  	_ =	shalt  }
0x41: {  	_ =	shalt  }
0x42: {  	_ =	shalt  }
0x43: {  	_ =	shalt  }
0x44: {  	_ =	shalt  }
0x45: {  	_ =	shalt  }
0x46: {  	_ =	shalt  }
0x47: {  	_ =	shalt  }
0x48: {  	_ =	shalt  }
0x49: {  	_ =	shalt  }
0x4a: {  	_ =	shalt  }
0x4b: {  	_ =	shalt  }
0x4c: {  	_ =	shalt  }
0x4d: {  	_ =	shalt  }
0x4e: {  	_ =	shalt  }
0x4f: {  	_ =	shalt  }
0x50: {  	_ =	shalt  }
0x51: {  	_ =	shalt  }
0x52: {  	_ =	shalt  }
0x53: {  	_ =	shalt  }
0x54: {  	_ =	shalt  }
0x55: {  	_ =	shalt  }
0x56: {  	_ =	shalt  }
0x57: {  	_ =	shalt  }
0x58: {  	_ =	shalt  }
0x59: {  	_ =	shalt  }
0x5a: {  	_ =	shalt  }
0x5b: {  	_ =	shalt  }
0x5c: {  	_ =	shalt  }
0x5d: {  	_ =	shalt  }
0x5e: {  	_ =	shalt  }
0x5f: {  	_ =	shalt  }
0x60: {  	_ =	shalt  }
0x61: {  	_ =	shalt  }
0x62: {  	_ =	shalt  }
0x63: {  	_ =	shalt  }
0x64: {  	_ =	shalt  }
0x65: {  	_ =	shalt  }
0x66: {  	_ =	shalt  }
0x67: {  	_ =	shalt  }
0x68: {  	_ =	shalt  }
0x69: {  	_ =	shalt  }
0x6a: {  	_ =	shalt  }
0x6b: {  	_ =	shalt  }
0x6c: {  	_ =	shalt  }
0x6d: {  	_ =	shalt  }
0x6e: {  	_ =	shalt  }
0x6f: {  	_ =	shalt  }
0x70: {  	_ =	shalt  }
0x71: {  	_ =	shalt  }
0x72: {  	_ =	shalt  }
0x73: {  	_ =	shalt  }
0x74: {  	_ =	shalt  }
0x75: {  	_ =	shalt  }
0x76: {  	_ =	shalt  }
0x77: {  	_ =	shalt  }
0x78: {  	_ =	shalt  }
0x79: {  	_ =	shalt  }
0x7a: {  	_ =	shalt  }
0x7b: {  	_ =	shalt  }
0x7c: {  	_ =	shalt  }
0x7d: {  	_ =	shalt  }
0x7e: {  	_ =	shalt  }
0x7f: {  	_ =	shalt  }
0x80: {  	_ =	shalt  }
0x81: {  	_ =	shalt  }
0x82: {  	_ =	shalt  }
0x83: {  	_ =	shalt  }
0x84: {  	_ =	shalt  }
0x85: {  	_ =	shalt  }
0x86: {  	_ =	shalt  }
0x87: {  	_ =	shalt  }
.Lfunc_end0:
.L_simem_size_0:
called_computation_lowered:
.L_overlay_start_0:
0x88: {  	s2 =	sld [smem:$0x3FD9]  }
0x89: {  	s3 =	sld [smem:$0x3FFE];
	_ =	sdelay $0x1  }
0x8a: {  	s1 =	srdreg.scid  }
0x8b: {  	s0 =	sand.u32 $0x1, s1  }
0x8c: {  	s16 =	sshll.u32 s0, $0xA;
	s2 =	sadd.s32 s3, s2  }
0x8d: {  	s2 =	sadd.s32 s2, s16  }
0x8e: {  	[smem:$0x3FC6] =	sst s2  }
0x8f: {  	_ = 	snop  }
0x90: {  	(tm) =	ssettm $0x1  }
0x91: {  	s17 =	sld [smem:$0x3FFB];
	_ =	sdelay $0x3  }
0x92: {  	_ =	strace s17  }
0x93: {  	s2 =	sld [smem:$0x3FFC];
	_ =	sdelay $0x3  }
0x94: {  	_ =	strace s2  }
0x95: {  	s2 =	sld [smem:$0x3FFD];
	_ =	sdelay $0x3  }
0x96: {  	_ =	strace s2  }
0x97: {  	_ =	strace $0x8FFFFFFF  }
0x98: {  	s18 =	sld [smem:$0x3FDB];
	_ =	sdelay $0x1  }
0x99: {  	s19 =	simm.s32 $_scs_section_size  }
0x9a: {  	s4 =	simm.s32 $_size__tile_overlayer_lowered;
	s5 =	simm.s32 $_tile_overlayer_lowered  }
0x9b: {  	s22 =	simm.s32 $0x1BFF;
	s21 =	sshll.u32 s5, $0x1;
	s2 =	sadd.s32 s19, s18  }
0x9c: {  	s6 =	simm.s32 $0x0;
	s20 =	sshll.u32 s4, $0x1;
	s4 =	sadd.s32 s21, s2  }
0x9d: {  	[timem:s6], [sflag:s22] =	dma.local [hbm:s4], s20  }
0x9e: {  	_ =	swait.ge [sflag:s22], s20  }
0x9f: {  	s3 =	ssub.s32 $0x0, s20;
	[sflag:s22] =	ssyncset.done $0x0  }
0xa0: {  	[sflag:s22] =	ssyncadd.s32 s3;
	_ =	sdelay $0x1  }
0xa1: {  	s23 =	simm.s32 $0x1B8B  }
0xa2: {  	_ =	swait.ge [sflag:s23], $0x1  }
0xa3: {  	[sflag:s23] =	ssyncset.done $0x0  }
0xa4: {  	s25 =	simm.s32 $0x1B8E;
	s24 =	sld [smem:$0x3FFE];
	[sflag:s23] =	ssyncadd.s32 $0xFFFFFFFF  }
0xa5: {  	s26 =	simm.s32 $execute0_lowered;
	[smem:$0x3FD2] =	sst s25  }
0xa6: {  	s4 =	sshll.u32 s26, $0x1;
	_ =	strace $0x80000046;
	[dreg:$0x1] =	wrdreg $0xFFFFFFFF  }
0xa7: {  	s28 =	simm.s32 $_size_execute0_lowered;
	s2 =	sadd.s32 s2, s4;
	[dreg:$0x0] =	wrdreg $0x0  }
0xa8: {  	s4 =	sshll.u32 s28, $0x1;
	[dreg:$0x2] =	wrdreg s2  }
0xa9: {  	[dreg:$0x3] =	wrdreg s4  }
0xaa: {  	[dreg:$0x4] =	wrdreg $0xC0  }
0xab: {  	_ =	task [dreg:s6], $0x5FFFF  }
0xac: {  	[dreg:$0x1] =	wrdreg $0xFFFFFFFF  }
0xad: {  	[dreg:$0x0] =	wrdreg $0x60  }
0xae: {  	[dreg:$0x2] =	wrdreg s24  }
0xaf: {  	[dreg:$0x3] =	wrdreg $0x9  }
0xb0: {  	_ =	task.clear_ibuf [dreg:s6], $0x4FFFF;
	_ =	strace $0x90000046  }
0xb1: {  	s29 =	simm.s32 $0x9;
	_ =	strace $0x80000048  }
0xb2: {  	_ =	swait.ge [sflag:s29], $0x1  }
0xb3: {  	[sflag:s29] =	ssyncadd.s32 $0xFFFFFFFF  }
0xb4: {  	_ =	strace $0x90000048  }
0xb5: {  	_ =	sfence  }
0xb6: {  	s30 =	sld [smem:$0x0];
	_ =	sdelay $0x2  }
0xb7: {  	s31 =	sshll.u32 s1, $0xD;
	s1 =	sshrl.u32 s1, $0x2  }
0xb8: {  	s3 =	sand.u32 $0x4000, s31;
	s1 =	sadd.s32 s1, s30  }
0xb9: {  	s0 =	sor.u32 s3, s0;
	s1 =	sshll.u32 s1, $0x11  }
0xba: {  	s0 =	sor.u32 s1, s0  }
0xbb: {  	s0 =	sadd.s32 $0x8F2B, s0  }
0xbc: {  	[sflag:s0] =	ssyncadd.remote.s32 $0x1  }
0xbd: {  	_ =	sfence.sel $0xFFFF  }
0xbe: {  	[dreg:$0x0] =	wrdreg $0xFFFFFFFF;
	(pc) =	sbr.abs _section_cstart, $3  }
0xbf: {  	[dreg:$0x1] =	wrdreg $0xFFFFFFFF  }
0xc0: {  	_ =	task.clear_ibuf [dreg:s6], $0x2FFFF;
	_ =	strace $0x9FFFFFFF  }
0xc1: {  	(tm) =	ssettm $0x7FFFFFFF  }
tec
execute0_lowered:
.L_overlay_start_1:
0x0: {  	(tag) =	ssettag $0x1  }
0x1: {  	v0 =	vimm.f32 $1.500000000e+01;
	vm0 =	vcmask $0x300  }
0x2: {  	v0 =	vsel vm0, $0x0, v0;
	vm0 =	vcmask $0x704  }
0x3: {  	v0 =	vsel vm0, $0x3F800000, v0;
	vm0 =	vcmask $0xB08  }
0x4: {  	s1 =	srdreg.scid;
	v0 =	vsel vm0, $0x40000000, v0;
	vm0 =	vcmask $0xF0C  }
0x5: {  	s0 =	stileid.u32;
	s4 =	rddreg [dreg:$0x0];
	v0 =	vsel vm0, $0x40400000, v0;
	vm0 =	vcmask $0x1310  }
0x6: {  	s2 =	simm.s32 $0x0;
	s11 =	simm.s32 $0x200;
	s12 =	simm.s32 $0x1;
	v0 =	vsel vm0, $0x40800000, v0;
	vm0 =	vcmask $0x1714  }
0x7: {  	s13 =	simm.s32 $0x1400;
	s14 =	simm.s32 $0x2800;
	s15 =	simm.s32 $0x3C00;
	v0 =	vsel vm0, $0x40A00000, v0;
	vm0 =	vcmask $0x1B18  }
0x8: {  	s16 =	simm.s32 $0x5000;
	s3 =	sand.u32 $0x1, s1;
	s1 =	rddreg [dreg:$0x1];
	v0 =	vsel vm0, $0x40C00000, v0;
	vm0 =	vcmask $0x1F1C  }
0x9: {  	s17 =	simm.s32 $0x7800;
	s6 =	sshrl.u32 s0, $0x3;
	[smem:$0x7FF] =	sst s2;
	v0 =	vsel vm0, $0x40E00000, v0;
	vm0 =	vcmask $0x2320  }
0xa: {  	s18 =	sand.u32 $0x7, s0;
	s5 =	sshll.u32 s3, $0x1;
	s3 =	ssub.s32 $0x2, s3;
	v0 =	vsel vm0, $0x41000000, v0;
	vm0 =	vcmask $0x2724  }
0xb: {  	vm1 =	vmmov $0x1;
	_ =	strace $0x80000047;
	p0 =	sne.s32 s18, $0x0;
	s5 =	sor.u32 s6, s5;
	v0 =	vsel vm0, $0x41100000, v0;
	vm0 =	vcmask $0x2B28  }
0xc: {  	vm2 =	vcmask $0x308;
	s7 =	sshrl.u32 s3, $0x1;
	s6 =	smul.u32 $0x1300, s5;
	s5 =	sshll.u32 s5, $0x4;
	v0 =	vsel vm0, $0x41200000, v0;
	vm0 =	vcmask $0x2F2C  }
0xd: {  	vm3 =	vcmask $0x70C;
	s18 =	simm.s32 $0x0;
	s10 =	ssub.s32 s3, s7;
	s8 =	sadd.s32 s5, s4;
	v0 =	vsel vm0, $0x41300000, v0;
	vm0 =	vcmask $0x3330  }
0xe: {  	vm4 =	vcmask $0xB10;
	s9 =	sadd.s32 s6, s4;
	s3 =	sadd.s32 $0x2A00, s8;
	s4 =	sadd.s32 $0x2000, s8;
	v0 =	vsel vm0, $0x41400000, v0;
	vm0 =	vcmask $0x3734  }
0xf: {  	vm5 =	vcmask $0xF14;
	s5 =	sadd.s32 $0x1600, s8;
	s6 =	sadd.s32 $0xC00, s8;
	s7 =	sadd.s32 $0x3400, s8;
	v0 =	vsel vm0, $0x41500000, v0;
	vm0 =	vcmask $0x3B38  }
0x10: {  	v1 =	vlaneseq.u32;
	s8 =	sadd.s32 $0x3E00, s9;
	s9 =	smax.u32 s10, $0x1;
	s10 =	simm.s32 $0x80;
	v0 =	vsel vm0, $0x41600000, v0;
	vm0 =	vmxor vm0, vm0  }
.LBB2_1:
0x11: {  	[tilespmem:s2], [sflag:$0x1] =	stream.strided.gather [hbm4b:s3+s10], $0x1400, s11, s10, $0x38;
	[tilespmem:$0x11000] =	vst v63  }
0x12: {  	_ =	swait.ge [sflag:s12], $0x1400  }
0x13: {  	[sflag:s12] =	ssyncset.done $0x0  }
0x14: {  	[sflag:s12] =	ssyncadd.s32 $0xFFFFEC00  }
0x15: {  	[tilespmem:s13], [sflag:$0x1] =	stream.strided.gather [hbm4b:s4+s10], $0x1400, s11, s10, $0x38;
	[tilespmem:$0x11000] =	vst v63  }
0x16: {  	_ =	swait.ge [sflag:s12], $0x1400  }
0x17: {  	[sflag:s12] =	ssyncset.done $0x0  }
0x18: {  	[sflag:s12] =	ssyncadd.s32 $0xFFFFEC00  }
0x19: {  	[tilespmem:s14], [sflag:$0x1] =	stream.strided.gather [hbm4b:s5+s10], $0x1400, s11, s10, $0x38;
	[tilespmem:$0x11000] =	vst v63  }
0x1a: {  	_ =	swait.ge [sflag:s12], $0x1400  }
0x1b: {  	[sflag:s12] =	ssyncset.done $0x0  }
0x1c: {  	[sflag:s12] =	ssyncadd.s32 $0xFFFFEC00  }
0x1d: {  	[tilespmem:s15], [sflag:$0x1] =	stream.strided.gather [hbm4b:s6+s10], $0x1400, s11, s10, $0x38;
	[tilespmem:$0x11000] =	vst v63  }
0x1e: {  	_ =	swait.ge [sflag:s12], $0x1400  }
0x1f: {  	[sflag:s12] =	ssyncset.done $0x0  }
0x20: {  	[sflag:s12] =	ssyncadd.s32 $0xFFFFEC00  }
0x21: {  	[tilespmem:s16], [sflag:$0x1] =	stream.strided.gather [hbm4b:s7+s10], $0x1400, s11, s10, $0x38;
	[tilespmem:$0x11000] =	vst v63  }
0x22: {  	_ =	swait.ge [sflag:s12], $0x1400  }
0x23: {  	[sflag:s12] =	ssyncset.done $0x0  }
0x24: {  	s19 =	simm.s32 $0x0;
	[sflag:s12] =	ssyncadd.s32 $0xFFFFEC00  }
0x25: {  	v6 =	vld [tilespmem:s19+$0x5000]  }
0x26: {  	v2 =	vld [tilespmem:s19+$0x2800]  }
0x27: {  	v4 =	vld [tilespmem:s19+$0x0]  }
0x28: {  	v3 =	vld [tilespmem:s19+$0x3C00]  }
0x29: {  	v5 =	vld [tilespmem:s19+$0x1400]  }
0x2a: {  	s20 =	simm.s32 $0x40;
	s21 =	simm.s32 $0x80;
	vm6 =	vgt.f32 v6, $2.500000000e-01  }
.LBB2_2:
0x2b: {  	p1 =	sne.s32 s21, $0x4E00;
	v6 =	vnsel vm6, $0xCE6E6B28, v6  }
0x2c: {  	s22 =	sshra.s32 s20, $0x2;
	s20 =	smov.u32 s21;
	[tilespmem:s19+$0x5000] =	vst v6;
	v7 =	vsub.f32 v2, v4  }
0x2d: {  	v6 =	vld [tilespmem:s22+$0x5000]  }
.Ltmp0:
0x2e: {  	v2 =	vld [tilespmem:s22+$0x2800];
	v5 =	vsub.f32 v3, v5;
	(pc) =	sbr.rel @p1 .LBB2_2-.Ltmp0, $4  }
0x2f: {  	v4 =	vld [tilespmem:s22+$0x0]  }
0x30: {  	v3 =	vld [tilespmem:s22+$0x3C00];
	v7 =	vmul.f32 v5, v7  }
0x31: {  	v5 =	vld [tilespmem:s22+$0x1400]  }
0x32: {  	s21 =	sadd.s32 $0x40, s21;
	vm6 =	vgt.f32 v6, $2.500000000e-01;
	[tilespmem:s19+$0x6400] =	vst v7;
	s19 =	smov.u32 s22  }
0x33: {  	v6 =	vnsel vm6, $0xCE6E6B28, v6  }
0x34: {  	s20 =	sshra.s32 s20, $0x2;
	[tilespmem:s19+$0x5000] =	vst v6  }
0x35: {  	v6 =	vld [tilespmem:s20+$0x2800]  }
0x36: {  	v7 =	vld [tilespmem:s20+$0x0]  }
0x37: {  	v8 =	vld [tilespmem:s20+$0x3C00]  }
0x38: {  	v9 =	vld [tilespmem:s20+$0x1400]  }
0x39: {  	v10 =	vld [tilespmem:s20+$0x5000];
	_ =	sdelay $0x1  }
0x3a: {  	v2 =	vsub.f32 v2, v4;
	v3 =	vsub.f32 v3, v5;
	_ =	sdelay $0x1  }
0x3b: {  	v2 =	vmul.f32 v3, v2;
	v3 =	vsub.f32 v6, v7;
	v63 =	vsub.f32 v8, v9  }
0x3c: {  	vm6 =	vgt.f32 v10, $2.500000000e-01  }
0x3d: {  	[tilespmem:s19+$0x6400] =	vst v2;
	v2 =	vnsel vm6, $0xCE6E6B28, v10;
	v3 =	vmul.f32 v63, v3  }
0x3e: {  	[tilespmem:s20+$0x5000] =	vst v2  }
0x3f: {  	s19 =	simm.s32 $0x0;
	[tilespmem:s20+$0x6400] =	vst v3;
	s20 =	simm.s32 $0x0  }
.LBB2_4:
0x40: {  	s21 =	simm.s32 $0x5000  }
0x41: {  	v2 =	vld [tilespmem:s21+$0x0];
	_ =	sdelay $0x1  }
0x42: {  	s22 =	scvt.s32.f32 s19;
	_ =	sdelay $0x1  }
0x43: {  	v4 =	vimm.f32 $-1.000000000e+09;
	v5 =	vadd.f32 s22, v0  }
0x44: {  	v3 =	vimm.f32 $1.000000000e+09;
	s21 =	simm.s32 $0x10;
	s22 =	simm.s32 $0x5010;
	vm6 =	vgt.f32 v2, v4  }
.LBB2_5:
0x45: {  	p1 =	sne.s32 s21, $0x1380;
	v4 =	vsel vm6, v2, v4;
	v2 =	vld [tilespmem:s22+$0x0];
	v3 =	vsel vm6, v5, v3;
	s23 =	smov.u32 s21;
	s21 =	sadd.s32 $0x10, s21  }
.Ltmp1:
0x46: {  	(pc) =	sbr.rel @p1 .LBB2_5-.Ltmp1, $3  }
0x47: {  	s23 =	scvt.s32.f32 s23;
	_ =	sdelay $0x1  }
0x48: {  	v5 =	vadd.f32 s23, v0  }
0x49: {  	s22 =	sadd.s32 $0x10, s22;
	vm6 =	vgt.f32 v2, v4  }
0x4a: {  	v4 =	vsel vm6, v2, v4  }
0x4b: {  	(xrf0) =	vmax.scan.msk.f32 $0xffff, v4;
	_ =	sdelay $0x5  }
0x4c: {  	v6, _, _ =	vpop (xrf0)  }
0x4d: {  	v2 =	vbroadcast v6, $0xF;
	_ =	sdelay $0x1  }
0x4e: {  	v3 =	vsel vm6, v5, v3;
	vm6 =	veq.f32 v4, v2  }
0x4f: {  	v3 =	vnsel vm6, $0x4E6E6B28, v3  }
0x50: {  	(xrf0) =	vmin.scan.msk.f32 $0xffff, v3;
	_ =	sdelay $0x5  }
0x51: {  	(v2sf) =	vpush v6, $0xF;
	v7, _, _ =	vpop (xrf0)  }
0x52: {  	(v2sf) =	vpush v7, $0xF;
	_ =	sdelay $0xd  }
0x53: {  	s23 =	spop (v2sf)  }
0x54: {  	s21 =	spop (v2sf)  }
0x55: {  	s21 =	smax.f32 s21, $0.0e+00  }
0x56: {  	s21 =	smin.f32 s21, $4.999000000e+03  }
0x57: {  	s21 =	scvt.f32.s32 s21;
	_ =	sdelay $0x1  }
0x58: {  	v3 =	vmov s21  }
0x59: {  	s24 =	simm.s32 $0x0  }
0x5a: {  	s22 =	simm.s32 $0x2800;
	v8 =	vld [tilespmem:s24+$0x0]  }
0x5b: {  	s31 =	simm.s32 $0x1400;
	v9 =	vld [tilespmem:s22+$0x0]  }
0x5c: {  	v10 =	vld [tilespmem:s31+$0x0]  }
0x5d: {  	v4 =	vld.idx.msk [tilespmem:v3+s24+$0x0], $0xffff  }
0x5e: {  	v5 =	vld.idx.msk [tilespmem:v3+s31+$0x0], $0xffff  }
0x5f: {  	s25 =	simm.s32 $0x3C00;
	v6 =	vld.idx.msk [tilespmem:v3+s22+$0x0], $0xffff  }
0x60: {  	v3 =	vld.idx.msk [tilespmem:v3+s25+$0x0], $0xffff  }
0x61: {  	v11 =	vld [tilespmem:s25+$0x0];
	_ =	sdelay $0x2  }
0x62: {  	s22 =	simm.s32 $0x6400  }
0x63: {  	v14 =	vld [tilespmem:s22+$0x0];
	v12 =	vsub.f32 v6, v4;
	v13 =	vsub.f32 v3, v5;
	v8 =	vmax.f32 v8, v4  }
0x64: {  	v10 =	vmax.f32 v10, v5;
	v9 =	vmin.f32 v9, v6;
	v11 =	vmin.f32 v11, v3  }
0x65: {  	v9 =	vsub.f32 v9, v8;
	v10 =	vsub.f32 v11, v10  }
0x66: {  	v8 =	vmul.f32 v13, v12  }
0x67: {  	v9 =	vmax.f32 v9, $0.0e+00;
	v10 =	vmax.f32 v10, $0.0e+00  }
0x68: {  	v9 =	vmul.f32 v10, v9;
	v10 =	vadd.f32 v14, v8;
	_ =	sdelay $0x1  }
0x69: {  	v10 =	vsub.f32 v10, v9;
	_ =	sdelay $0x1  }
0x6a: {  	v10 =	vadd.f32 $9.999999710e-10, v10;
	_ =	sdelay $0x1  }
0x6b: {  	(erf) = vrcp.f32 v10;
	_ =	sdelay $0x8  }
0x6c: {  	s21 =	simm.s32 $0x5000;
	s24 =	scvt.s32.f32 s24;
	v10 =	vpop (erf)  }
0x6d: {  	p1 =	sgt.f32 s23, $-5.000000000e+08;
	v11 =	vld [tilespmem:s21+$0x0];
	v9 =	vmul.f32 v10, v9  }
0x6e: {  	vm6 =	vmmov vm0;
	v7 =	vbroadcast v7, $0xF;
	v10 =	vadd.f32 s24, v0  }
0x6f: {  	vm6 =	vmneg @p1 vm6;
	vm7 =	vgt.f32 v9, $5.000000000e-01  }
0x70: {  	vm8 =	veq.f32 v10, v7;
	vm7 =	vmand vm6, vm7  }
0x71: {  	vm7 =	vmor vm8, vm7  }
0x72: {  	v9 =	vsel vm7, $0xCE6E6B28, v11  }
0x73: {  	s23 =	simm.s32 $0x10;
	[tilespmem:s21+$0x0] =	vst v9  }
0x74: {  	s24 =	simm.s32 $0x2810;
	v10 =	vld [tilespmem:s23+$0x0]  }
0x75: {  	s25 =	simm.s32 $0x1410;
	v9 =	vld [tilespmem:s24+$0x0]  }
0x76: {  	s26 =	simm.s32 $0x3C10;
	v11 =	vld [tilespmem:s25+$0x0]  }
0x77: {  	s28 =	simm.s32 $0x20;
	s29 =	simm.s32 $0x10;
	v12 =	vld [tilespmem:s26+$0x0]  }
.LBB2_7:
0x78: {  	p2 =	sne.s32 s28, $0x1380;
	_ =	sdelay $0x1  }
0x79: {  	s22 =	sadd.s32 $0x10, s22  }
0x7a: {  	v10 =	vmax.f32 v10, v4;
	v13 =	vld [tilespmem:s22+$0x0]  }
0x7b: {  	v9 =	vmin.f32 v9, v6;
	v11 =	vmax.f32 v11, v5;
	v12 =	vmin.f32 v12, v3  }
0x7c: {  	v9 =	vsub.f32 v9, v10;
	v10 =	vsub.f32 v12, v11;
	_ =	sdelay $0x1  }
0x7d: {  	v9 =	vmax.f32 v9, $0.0e+00;
	v10 =	vmax.f32 v10, $0.0e+00  }
0x7e: {  	v9 =	vmul.f32 v10, v9;
	v10 =	vadd.f32 v13, v8;
	_ =	sdelay $0x1  }
0x7f: {  	v10 =	vsub.f32 v10, v9;
	_ =	sdelay $0x1  }
0x80: {  	v10 =	vadd.f32 $9.999999710e-10, v10;
	_ =	sdelay $0x1  }
0x81: {  	(erf) = vrcp.f32 v10;
	_ =	sdelay $0x8  }
0x82: {  	s30 =	scvt.s32.f32 s23;
	s21 =	sadd.s32 $0x10, s21;
	s23 =	smov.u32 s28;
	v10 =	vpop (erf)  }
0x83: {  	v11 =	vld [tilespmem:s21+$0x0];
	v9 =	vmul.f32 v10, v9  }
0x84: {  	v10 =	vadd.f32 s30, v0  }
0x85: {  	vm7 =	vgt.f32 v9, $5.000000000e-01  }
0x86: {  	vm8 =	veq.f32 v10, v7;
	vm7 =	vmand vm6, vm7  }
0x87: {  	vm7 =	vmor vm8, vm7  }
0x88: {  	v9 =	vsel vm7, $0xCE6E6B28, v11  }
.Ltmp2:
0x89: {  	s29 =	sadd.s32 $0x10, s29;
	[tilespmem:s21+$0x0] =	vst v9;
	(pc) =	sbr.rel @p2 .LBB2_7-.Ltmp2, $4  }
0x8a: {  	s24 =	sadd.s32 $0x10, s24;
	v10 =	vld [tilespmem:s29+$0x0]  }
0x8b: {  	s25 =	sadd.s32 $0x10, s25;
	v9 =	vld [tilespmem:s24+$0x0]  }
0x8c: {  	s26 =	sadd.s32 $0x10, s26;
	v11 =	vld [tilespmem:s25+$0x0]  }
0x8d: {  	s28 =	sadd.s32 $0x10, s28;
	v12 =	vld [tilespmem:s26+$0x0]  }
0x8e: {  	_ =	sdelay $0x1  }
0x8f: {  	s22 =	sadd.s32 $0x10, s22  }
0x90: {  	v10 =	vmax.f32 v10, v4;
	v13 =	vld [tilespmem:s22+$0x0]  }
0x91: {  	v9 =	vmin.f32 v9, v6;
	v11 =	vmax.f32 v11, v5;
	v12 =	vmin.f32 v12, v3  }
0x92: {  	v9 =	vsub.f32 v9, v10;
	v56 =	vsub.f32 v12, v11;
	_ =	sdelay $0x1  }
0x93: {  	v9 =	vmax.f32 v9, $0.0e+00;
	v10 =	vmax.f32 v56, $0.0e+00  }
0x94: {  	v8 =	vadd.f32 v13, v8;
	v9 =	vmul.f32 v10, v9;
	_ =	sdelay $0x1  }
0x95: {  	v8 =	vsub.f32 v8, v9;
	_ =	sdelay $0x1  }
0x96: {  	v8 =	vadd.f32 $9.999999710e-10, v8;
	_ =	sdelay $0x1  }
0x97: {  	(erf) = vrcp.f32 v8;
	_ =	sdelay $0x5  }
0x98: {  	v57 =	vnsel vm1, $0x0, v4;
	v58 =	vsel vm2, $0x0, v5  }
0x99: {  	v4 =	vadd.f32 v58, v57  }
0x9a: {  	v59 =	vsel vm3, $0x0, v6  }
0x9b: {  	s30 =	scvt.s32.f32 s23;
	s21 =	sadd.s32 $0x10, s21;
	v4 =	vadd.f32 v59, v4;
	v60 =	vpop (erf)  }
0x9c: {  	v61 =	vld [tilespmem:s21+$0x0];
	v3 =	vsel vm4, $0x0, v3;
	v6 =	vmul.f32 v60, v9  }
0x9d: {  	s31 =	sshll.u32 s20, $0x7;
	s20 =	sadd.s32 $0x1, s20;
	s22 =	simm.f32 $1.000000000e+00;
	v62 =	vadd.f32 s30, v0;
	v3 =	vadd.f32 v3, v4  }
0x9e: {  	v2 =	vsel vm5, $0x0, v2;
	v63 =	vor.u32 s31, v1;
	s22 =	simm.s32 @!p1 $0x0;
	p1 =	sne.s32 s20, $0x12C;
	vm7 =	vgt.f32 v6, $5.000000000e-01  }
.Ltmp3:
0x9f: {  	v2 =	vadd.f32 v3, v2;
	vm6 =	vmand vm6, vm7;
	vm7 =	veq.f32 v62, v7;
	(pc) =	sbr.rel @p1 .LBB2_4-.Ltmp3, $4  }
0xa0: {  	vm6 =	vmor vm7, vm6  }
0xa1: {  	v2 =	vmul.f32 s22, v2;
	v3 =	vsel vm6, $0xCE6E6B28, v61  }
0xa2: {  	[tilespmem:s21+$0x0] =	vst v3  }
0xa3: {  	[tilespmem:v63+s17+$0x0] =	vst.idx.msk $0xffff, v2  }
0xa4: {  	s19 =	simm.s32 @!p0 $0x0;
	s20 =	simm.s32 @!p0 $0x7800;
	s18 =	sadd.s32 $0x1, s18  }
0xa5: {  	[hbm4b:s8+s19] =	stream.linear.scatter @!p0 [tilespmem:s20], [sflag:$0x1], $0x9600, $0x38;
	[tilespmem:$0x11000] =	vst v63  }
0xa6: {  	p1 =	sne.s32 s18, s9  }
.Ltmp4:
0xa7: {  	_ = 	snop;
	(pc) =	sbr.rel @p1 .LBB2_1-.Ltmp4, $4  }
0xa8: {  	s19 =	simm.s32 @!p0 $0x1  }
0xa9: {  	_ =	swait.ge @!p0 [sflag:s19], $0x9600  }
0xaa: {  	[sflag:s19] =	ssyncset.done @!p0 $0x0  }
0xab: {  	[sflag:s19] =	ssyncadd.s32 @!p0 $0xFFFF6A00  }
0xac: {  	_ =	sfence.sel $0x180000  }
0xad: {  	[bflag:$0x0] =	sbarrier.arrive $0xFFFF  }
0xae: {  	p0 =	sne.s32 s0, $0x0;
	_ =	strace $0x90000047  }
0xaf: {  	s0 =	sadd.s32 @!p0 $0x100000, s1;
	[bflag:$0x2] =	sbarrier.arrive $0xFFFF  }
0xb0: {  	[sflag:s0] =	ssyncadd.tile.s32 @!p0 $0x1;
	_ =	shalt  }
.Lfunc_end2:
_tile_overlayer_lowered:
.L_overlay_start_2:
0xb1: {  	(tag) =	ssettag $0x2  }
0xb2: {  	s0 =	rddreg [dreg:$0x0];
	s2 =	stileid.u32  }
0xb3: {  	s1 =	rddreg [dreg:$0x1];
	p0 =	sne.s32 s2, $0x0  }
0xb4: {  	s3 =	rddreg [dreg:$0x2];
	[bflag:$0x3] =	sbarrier.arrive $0xFFFF;
	s2 =	simm.s32 @!p0 $0x1C01  }
0xb5: {  	[timem:s3], [sflag:s2] =	dma.local @!p0 [hbm:s0], s1  }
0xb6: {  	s0 =	simm.s32 @!p0 $0x1  }
0xb7: {  	_ =	swait.ge @!p0 [sflag:s0], s1  }
0xb8: {  	s1 =	ssub.s32 @!p0 $0x0, s1;
	[sflag:s0] =	ssyncset.done @!p0 $0x0  }
0xb9: {  	[sflag:s0] =	ssyncadd.s32 @!p0 s1  }
0xba: {  	[bflag:$0x3] =	sbarrier.arrive $0xFFFF  }
0xbb: {  	_ =	shalt  }

</sc_bundles>
